<compile_context>
chip_gen: v7x
topology: tpu7x:2x2x1
jax: 0.10.2.dev20260603
libtpu: 0.0.44.dev20260713+nightly
codegen_flags: <defaults>
</compile_context>

<pallas_src>
import functools

import jax
import jax.numpy as jnp
from jax import lax
from jax.experimental import pallas as pl
from jax.experimental.pallas import tpu as pltpu
from jax.experimental.pallas import tpu_sc as plsc

VOCAB = 1000001
EMBED = 64
BATCH = 4096
SEQ = 50
NUM_CORES = 2
NUM_SUBCORES = 16
NW = NUM_CORES * NUM_SUBCORES

FULL_TCOLS = 7812
TAIL_START = FULL_TCOLS * 128
N_TAIL = VOCAB - TAIL_START
PACKED_ROWS = 500008
BLOCKS_EACH = 244


def _iota16():
    return lax.iota(jnp.int32, 16)


@jax.jit
def _pack_table(tbl_t):
    mesh = plsc.VectorSubcoreMesh(core_axis_name="c", subcore_axis_name="s")

    @functools.partial(
        pl.kernel,
        mesh=mesh,
        out_type=jax.ShapeDtypeStruct((PACKED_ROWS, 128), jnp.float32),
        scratch_types=[
            pltpu.VMEM((2, EMBED, 128), jnp.float32),
            pltpu.VMEM((2, 64, 128), jnp.float32),
            pltpu.SemaphoreType.DMA((2,)),
            pltpu.SemaphoreType.DMA((2,)),
        ],
        compiler_params=pltpu.CompilerParams(use_tc_tiling_on_sc=True, needs_layout_passes=False),
    )
    def pack_kernel(tbl_hbm, out_hbm, src_v, dst_v, rsem, wsem):
        wid = lax.axis_index("s") * NUM_CORES + lax.axis_index("c")

        def rcopy(jc, p):
            return pltpu.make_async_copy(
                tbl_hbm.at[:, pl.ds(jc * 128, 128)], src_v.at[p], rsem.at[p])

        def wcopy(jc, p):
            return pltpu.make_async_copy(
                dst_v.at[p], out_hbm.at[pl.ds(jc * 64, 64)], wsem.at[p])

        ones16 = jnp.ones((16,), jnp.int32)

        def transpose_block(p):
            for g in range(8):
                d_idx = 16 * (g % 4) + _iota16()
                cbase = g // 4

                @functools.partial(plsc.parallel_loop, 0, 64, unroll=8)
                def _(kk):
                    c_idx = (2 * kk + cbase) * ones16
                    vals = plsc.load_gather(src_v.at[p], [d_idx, c_idx])
                    dst_v[p, kk, pl.ds(16 * g, 16)] = vals

        rcopy(wid, 0).start()

        def body(t, carry):
            p = lax.rem(t, 2)
            jc = wid + NW * t
            rcopy(jc, p).wait()

            @pl.when(t + 1 < BLOCKS_EACH)
            def _():
                rcopy(jc + NW, 1 - p).start()

            @pl.when(t >= 2)
            def _():
                wcopy(jc - 2 * NW, p).wait()

            transpose_block(p)
            plsc.subcore_barrier()
            wcopy(jc, p).start()
            return carry

        lax.fori_loop(0, BLOCKS_EACH, body, 0)
        wcopy(wid + NW * (BLOCKS_EACH - 2), 0).wait()
        wcopy(wid + NW * (BLOCKS_EACH - 1), 1).wait()

        jc_tail = FULL_TCOLS - 4 + wid

        @pl.when(wid < 4)
        def _():
            pltpu.sync_copy(
                tbl_hbm.at[:, pl.ds(jc_tail * 128, 128)], src_v.at[0])
            transpose_block(0)

        plsc.subcore_barrier()

        @pl.when(wid < 4)
        def _():
            pltpu.sync_copy(dst_v.at[0], out_hbm.at[pl.ds(jc_tail * 64, 64)])

    return pack_kernel(tbl_t)


@jax.jit
def _lookup(ids_t, packed, tail):
    mesh = plsc.VectorSubcoreMesh(core_axis_name="c", subcore_axis_name="s")

    @functools.partial(
        pl.kernel,
        mesh=mesh,
        out_type=jax.ShapeDtypeStruct((SEQ, EMBED, BATCH), jnp.float32),
        scratch_types=[
            pltpu.VMEM((SEQ, 128), jnp.int32),
            pltpu.VMEM((SEQ, 128), jnp.int32),
            pltpu.VMEM((SEQ, 128), jnp.int32),
            pltpu.VMEM((N_TAIL, EMBED), jnp.float32),
            pltpu.VMEM((3, 128, 128), jnp.float32),
            pltpu.VMEM((2, EMBED, 128), jnp.float32),
            pltpu.SemaphoreType.DMA((3,)),
            pltpu.SemaphoreType.DMA((2,)),
        ],
        compiler_params=pltpu.CompilerParams(use_tc_tiling_on_sc=True, needs_layout_passes=False),
    )
    def lookup_kernel(ids_hbm, tbl_hbm, tail_hbm, out_hbm, v_v, k_v, h_v,
                      tail_v, rows_v, o_v, gsem, wsem):
        wid = lax.axis_index("s") * NUM_CORES + lax.axis_index("c")
        b0 = wid * (BATCH // NW)

        pltpu.sync_copy(ids_hbm.at[:, pl.ds(b0, 128)], v_v)
        pltpu.sync_copy(tail_hbm, tail_v)
        for s in range(SEQ):
            for g in range(8):
                v = v_v[s, pl.ds(16 * g, 16)]
                k_v[s, pl.ds(16 * g, 16)] = lax.shift_right_logical(v, 1)
                h_v[s, pl.ds(16 * g, 16)] = lax.mul(
                    lax.rem(v, 2), jnp.full((16,), 64, jnp.int32))

        def gcopy(s, p):
            return pltpu.make_async_copy(
                tbl_hbm.at[k_v.at[s]], rows_v.at[p], gsem.at[p])

        def wcopy(s, q):
            return pltpu.make_async_copy(
                o_v.at[q], out_hbm.at[s, :, pl.ds(b0, 128)], wsem.at[q])

        gcopy(0, 0).start()
        gcopy(1, 1).start()

        def body(s, carry):
            p = lax.rem(s, 3)
            q = lax.rem(s, 2)
            gcopy(s, p).wait()

            @pl.when(s + 2 < SEQ)
            def _():
                gcopy(s + 2, lax.rem(s + 2, 3)).start()

            @pl.when(s >= 2)
            def _():
                wcopy(s - 2, q).wait()

            for g in range(8):
                i_idx = 16 * g + _iota16()
                hvec = h_v[s, pl.ds(16 * g, 16)]
                for d0 in range(0, EMBED, 8):
                    vals = [
                        plsc.load_gather(rows_v.at[p], [i_idx, hvec + d])
                        for d in range(d0, d0 + 8)
                    ]
                    for j, d in enumerate(range(d0, d0 + 8)):
                        o_v[q, d, pl.ds(16 * g, 16)] = vals[j]

            thresh = jnp.full((16,), TAIL_START, jnp.int32)
            n_big = jnp.zeros((), jnp.int32)
            for g in range(8):
                v = v_v[s, pl.ds(16 * g, 16)]
                n_big = n_big + plsc.all_reduce_population_count(
                    v >= thresh)[0]

            @pl.when(n_big > 0)
            def _():
                for g in range(8):
                    v = v_v[s, pl.ds(16 * g, 16)]
                    big = v >= thresh
                    t_idx = lax.max(v - thresh, jnp.zeros((16,), jnp.int32))
                    for d in range(EMBED):
                        cur = o_v[q, d, pl.ds(16 * g, 16)]
                        fix = plsc.load_gather(
                            tail_v, [t_idx, jnp.full((16,), d, jnp.int32)])
                        o_v[q, d, pl.ds(16 * g, 16)] = jnp.where(
                            big, fix, cur)

            plsc.subcore_barrier()
            wcopy(s, q).start()
            return carry

        lax.fori_loop(0, SEQ, body, 0)
        wcopy(SEQ - 2, 0).wait()
        wcopy(SEQ - 1, 1).wait()

    return lookup_kernel(ids_t, packed, tail)


def kernel(input_ids, table):
    ids_t = input_ids.astype(jnp.int32).T
    packed = _pack_table(table.T)
    tail = table[TAIL_START:]
    out_t = _lookup(ids_t, packed, tail)
    return jnp.transpose(out_t, (2, 0, 1))

# --- scband reference (transcript-rebuilt; emitter-appended) ---
"""Pipeline reference for scband-frozen-word2-vec-2791728742446 (READ-ONLY COPY).

The authoritative reference and input builder live on the scoring server;
editing this copy changes nothing except your own understanding.
"""

import jax, jax.numpy as jnp
import numpy as np

VOCAB_SIZE = 1000001  # 1M words + 1 padding row at index 0
EMBED_DIM = 64
BATCH = 4096
SEQ_LEN = 50


def setup_inputs(seed: int = 0) -> dict:
    key = jax.random.key(seed)
    k_ids, k_tab = jax.random.split(key)
    input_ids = jax.random.randint(k_ids, (BATCH, SEQ_LEN), 0, VOCAB_SIZE, dtype=jnp.int64 if jax.config.jax_enable_x64 else jnp.int32)
    # Pre-trained (frozen) embedding table: row 0 is the zero padding vector,
    # rows 1..VOCAB_SIZE-1 are the word2vec vectors.
    word_vectors = jax.random.normal(k_tab, (VOCAB_SIZE - 1, EMBED_DIM), dtype=jnp.float32)
    pad_vector = jnp.zeros((1, EMBED_DIM), dtype=jnp.float32)
    table = jnp.concatenate([pad_vector, word_vectors], axis=0)
    return {"input_ids": input_ids, "table": table}


def reference(input_ids, table):
    # nn.Embedding forward: simple row gather.
    return jnp.take(table, input_ids, axis=0)

if __name__ == "__main__":
    import jax
    _d = setup_inputs()
    print(jax.jit(kernel)(*tuple(_d.values())))

</pallas_src>

<mosaic_0001>
#map = affine_map<(d0, d1) -> (0, 0)>
module attributes {stable_mosaic.version = 14 : i64} {
  func.func @pack_kernel(%arg0: i32, %arg1: i32, %arg2: memref<64x1000001xf32, #tpu.memory_space<hbm>>, %arg3: memref<500008x128xf32, #tpu.memory_space<hbm>>, %arg4: memref<2x64x128xf32, #tpu.memory_space<vmem>>, %arg5: memref<2x64x128xf32, #tpu.memory_space<vmem>>, %arg6: memref<2x!tpu.dma_semaphore, #tpu.memory_space<semaphore_mem>>, %arg7: memref<2x!tpu.dma_semaphore, #tpu.memory_space<semaphore_mem>>) attributes {dimension_semantics = [#tpu.dimension_semantics<core_parallel>, #tpu.dimension_semantics<subcore_parallel>], iteration_bounds = array<i64: 2, 16>, scalar_prefetch = 0 : i64, scratch_operands = 4 : i64, tpu.core_type = #tpu.core_type<sc_vector_subcore>, window_params = [{transform_indices = #map}, {transform_indices = #map}]} {
    %mul3A = arith.constant 2 : i32
    %mul3A_0 = arith.muli %arg1, %mul3A : i32
    %add3A = arith.addi %mul3A_0, %arg0 : i32
    %broadcast_in_dim3A = arith.constant 1 : i32
    %broadcast_in_dim3A_1 = vector.broadcast %broadcast_in_dim3A : i32 to vector<16xi32>
    %mul3A_2 = arith.constant 128 : i32
    %mul3A_3 = arith.muli %add3A, %mul3A_2 : i32
    %dma_start3A = arith.constant 0 : i32
    %dma_start3A_4 = arith.constant 0 : i32
    %dma_start3A_5 = arith.constant 0 : i32
    %dma_start3A_6 = arith.constant 0 : i32
    %dma_start3A_7 = tpu.memref_slice %arg4[%dma_start3A, %dma_start3A_5, %dma_start3A_6] : memref<2x64x128xf32, #tpu.memory_space<vmem>> -> memref<1x64x128xf32, #tpu.memory_space<vmem>>
    %dma_start3A_8 = tpu.memref_squeeze %dma_start3A_7 : memref<1x64x128xf32, #tpu.memory_space<vmem>> -> memref<64x128xf32, #tpu.memory_space<vmem>>
    %dma_start3A_9 = arith.constant 0 : i32
    %dma_start3A_10 = tpu.memref_slice %arg2[%dma_start3A_9, %mul3A_3] : memref<64x1000001xf32, #tpu.memory_space<hbm>> -> memref<64x128xf32, #tpu.memory_space<hbm>>
    %dma_start3A_11 = tpu.memref_slice %arg6[%dma_start3A_4] : memref<2x!tpu.dma_semaphore, #tpu.memory_space<semaphore_mem>> -> memref<1x!tpu.dma_semaphore, #tpu.memory_space<semaphore_mem>>
    %dma_start3A_12 = tpu.memref_squeeze %dma_start3A_11 : memref<1x!tpu.dma_semaphore, #tpu.memory_space<semaphore_mem>> -> memref<!tpu.dma_semaphore, #tpu.memory_space<semaphore_mem>>
    %dma_start3A_13 = arith.constant 0 : i32
    %dma_start3A_14 = arith.constant 0 : i32
    %dma_start3A_15 = tpu.memref_slice %arg4[%dma_start3A, %dma_start3A_13, %dma_start3A_14] : memref<2x64x128xf32, #tpu.memory_space<vmem>> -> memref<1x64x128xf32, #tpu.memory_space<vmem>>
    %dma_start3A_16 = tpu.memref_squeeze %dma_start3A_15 : memref<1x64x128xf32, #tpu.memory_space<vmem>> -> memref<64x128xf32, #tpu.memory_space<vmem>>
    %dma_start3A_17 = arith.constant 0 : i32
    %dma_start3A_18 = tpu.memref_slice %arg2[%dma_start3A_17, %mul3A_3] : memref<64x1000001xf32, #tpu.memory_space<hbm>> -> memref<64x128xf32, #tpu.memory_space<hbm>>
    tpu.enqueue_dma source(%dma_start3A_18 : memref<64x128xf32, #tpu.memory_space<hbm>>) target(%dma_start3A_16 : memref<64x128xf32, #tpu.memory_space<vmem>>) target_semaphore(%dma_start3A_12 : memref<!tpu.dma_semaphore, #tpu.memory_space<semaphore_mem>>)
    %scan3A = arith.constant 0 : i32
    %scan3A_19 = arith.constant 0 : i32
    %scan3A_20 = arith.constant 244 : i32
    %scan3A_21 = arith.addi %scan3A_19, %scan3A_20 : i32
    %scan3A_22 = arith.constant 1 : i32
    scf.for %scan3A_72 = %scan3A_19 to %scan3A_21 step %scan3A_22  : i32 {
      %rem3A = arith.constant 2 : i32
      %rem3A_73 = arith.remsi %scan3A_72, %rem3A : i32
      %mul3A_74 = arith.constant 32 : i32
      %mul3A_75 = arith.muli %mul3A_74, %scan3A_72 : i32
      %add3A_76 = arith.addi %add3A, %mul3A_75 : i32
      %mul3A_77 = arith.constant 128 : i32
      %mul3A_78 = arith.muli %add3A_76, %mul3A_77 : i32
      %dma_wait3A_79 = arith.constant 0 : i32
      %dma_wait3A_80 = arith.constant 0 : i32
      %dma_wait3A_81 = tpu.memref_slice %arg4[%rem3A_73, %dma_wait3A_79, %dma_wait3A_80] : memref<2x64x128xf32, #tpu.memory_space<vmem>> -> memref<1x64x128xf32, #tpu.memory_space<vmem>>
      %dma_wait3A_82 = tpu.memref_squeeze %dma_wait3A_81 : memref<1x64x128xf32, #tpu.memory_space<vmem>> -> memref<64x128xf32, #tpu.memory_space<vmem>>
      %dma_wait3A_83 = arith.constant 0 : i32
      %dma_wait3A_84 = tpu.memref_slice %arg2[%dma_wait3A_83, %mul3A_78] : memref<64x1000001xf32, #tpu.memory_space<hbm>> -> memref<64x128xf32, #tpu.memory_space<hbm>>
      %dma_wait3A_85 = tpu.memref_slice %arg6[%rem3A_73] : memref<2x!tpu.dma_semaphore, #tpu.memory_space<semaphore_mem>> -> memref<1x!tpu.dma_semaphore, #tpu.memory_space<semaphore_mem>>
      %dma_wait3A_86 = tpu.memref_squeeze %dma_wait3A_85 : memref<1x!tpu.dma_semaphore, #tpu.memory_space<semaphore_mem>> -> memref<!tpu.dma_semaphore, #tpu.memory_space<semaphore_mem>>
      %dma_wait3A_87 = arith.constant 0 : i32
      %dma_wait3A_88 = arith.constant 0 : i32
      %dma_wait3A_89 = tpu.memref_slice %arg4[%rem3A_73, %dma_wait3A_87, %dma_wait3A_88] : memref<2x64x128xf32, #tpu.memory_space<vmem>> -> memref<1x64x128xf32, #tpu.memory_space<vmem>>
      %dma_wait3A_90 = tpu.memref_squeeze %dma_wait3A_89 : memref<1x64x128xf32, #tpu.memory_space<vmem>> -> memref<64x128xf32, #tpu.memory_space<vmem>>
      %dma_wait3A_91 = arith.constant 0 : i32
      %dma_wait3A_92 = tpu.memref_slice %arg2[%dma_wait3A_91, %mul3A_78] : memref<64x1000001xf32, #tpu.memory_space<hbm>> -> memref<64x128xf32, #tpu.memory_space<hbm>>
      tpu.wait_dma2 semaphore(%dma_wait3A_86 : memref<!tpu.dma_semaphore, #tpu.memory_space<semaphore_mem>>) src(%dma_wait3A_92 : memref<64x128xf32, #tpu.memory_space<hbm>>) dst(%dma_wait3A_90 : memref<64x128xf32, #tpu.memory_space<vmem>>)
      %add3A_93 = arith.constant 1 : i32
      %add3A_94 = arith.addi %scan3A_72, %add3A_93 : i32
      %lt3A_95 = arith.constant 244 : i32
      %lt3A_96 = arith.cmpi slt, %add3A_94, %lt3A_95 : i32
      %convert_element_type3A_97 = arith.extui %lt3A_96 : i1 to i32
      %cond3A_98 = arith.constant 0 : i32
      %cond3A_99 = arith.cmpi ne, %convert_element_type3A_97, %cond3A_98 : i32
      scf.if %cond3A_99 {
        %add3A_152 = arith.constant 32 : i32
        %add3A_153 = arith.addi %add3A_76, %add3A_152 : i32
        %sub3A = arith.constant 1 : i32
        %sub3A_154 = arith.subi %sub3A, %rem3A_73 : i32
        %mul3A_155 = arith.constant 128 : i32
        %mul3A_156 = arith.muli %add3A_153, %mul3A_155 : i32
        %dma_start3A_157 = arith.constant 0 : i32
        %dma_start3A_158 = arith.constant 0 : i32
        %dma_start3A_159 = tpu.memref_slice %arg4[%sub3A_154, %dma_start3A_157, %dma_start3A_158] : memref<2x64x128xf32, #tpu.memory_space<vmem>> -> memref<1x64x128xf32, #tpu.memory_space<vmem>>
        %dma_start3A_160 = tpu.memref_squeeze %dma_start3A_159 : memref<1x64x128xf32, #tpu.memory_space<vmem>> -> memref<64x128xf32, #tpu.memory_space<vmem>>
        %dma_start3A_161 = arith.constant 0 : i32
        %dma_start3A_162 = tpu.memref_slice %arg2[%dma_start3A_161, %mul3A_156] : memref<64x1000001xf32, #tpu.memory_space<hbm>> -> memref<64x128xf32, #tpu.memory_space<hbm>>
        %dma_start3A_163 = tpu.memref_slice %arg6[%sub3A_154] : memref<2x!tpu.dma_semaphore, #tpu.memory_space<semaphore_mem>> -> memref<1x!tpu.dma_semaphore, #tpu.memory_space<semaphore_mem>>
        %dma_start3A_164 = tpu.memref_squeeze %dma_start3A_163 : memref<1x!tpu.dma_semaphore, #tpu.memory_space<semaphore_mem>> -> memref<!tpu.dma_semaphore, #tpu.memory_space<semaphore_mem>>
        %dma_start3A_165 = arith.constant 0 : i32
        %dma_start3A_166 = arith.constant 0 : i32
        %dma_start3A_167 = tpu.memref_slice %arg4[%sub3A_154, %dma_start3A_165, %dma_start3A_166] : memref<2x64x128xf32, #tpu.memory_space<vmem>> -> memref<1x64x128xf32, #tpu.memory_space<vmem>>
        %dma_start3A_168 = tpu.memref_squeeze %dma_start3A_167 : memref<1x64x128xf32, #tpu.memory_space<vmem>> -> memref<64x128xf32, #tpu.memory_space<vmem>>
        %dma_start3A_169 = arith.constant 0 : i32
        %dma_start3A_170 = tpu.memref_slice %arg2[%dma_start3A_169, %mul3A_156] : memref<64x1000001xf32, #tpu.memory_space<hbm>> -> memref<64x128xf32, #tpu.memory_space<hbm>>
        tpu.enqueue_dma source(%dma_start3A_170 : memref<64x128xf32, #tpu.memory_space<hbm>>) target(%dma_start3A_168 : memref<64x128xf32, #tpu.memory_space<vmem>>) target_semaphore(%dma_start3A_164 : memref<!tpu.dma_semaphore, #tpu.memory_space<semaphore_mem>>)
      } else {
      }
      %ge3A = arith.constant 2 : i32
      %ge3A_100 = arith.cmpi sge, %scan3A_72, %ge3A : i32
      %convert_element_type3A_101 = arith.extui %ge3A_100 : i1 to i32
      %cond3A_102 = arith.constant 0 : i32
      %cond3A_103 = arith.cmpi ne, %convert_element_type3A_101, %cond3A_102 : i32
      scf.if %cond3A_103 {
        %sub3A = arith.constant 64 : i32
        %sub3A_152 = arith.subi %add3A_76, %sub3A : i32
        %mul3A_153 = arith.constant 64 : i32
        %mul3A_154 = arith.muli %sub3A_152, %mul3A_153 : i32
        %dma_wait3A_155 = arith.constant 0 : i32
        %dma_wait3A_156 = arith.constant 0 : i32
        %dma_wait3A_157 = tpu.memref_slice %arg5[%rem3A_73, %dma_wait3A_155, %dma_wait3A_156] : memref<2x64x128xf32, #tpu.memory_space<vmem>> -> memref<1x64x128xf32, #tpu.memory_space<vmem>>
        %dma_wait3A_158 = tpu.memref_squeeze %dma_wait3A_157 : memref<1x64x128xf32, #tpu.memory_space<vmem>> -> memref<64x128xf32, #tpu.memory_space<vmem>>
        %dma_wait3A_159 = arith.constant 0 : i32
        %dma_wait3A_160 = tpu.memref_slice %arg3[%mul3A_154, %dma_wait3A_159] : memref<500008x128xf32, #tpu.memory_space<hbm>> -> memref<64x128xf32, #tpu.memory_space<hbm>>
        %dma_wait3A_161 = tpu.memref_slice %arg7[%rem3A_73] : memref<2x!tpu.dma_semaphore, #tpu.memory_space<semaphore_mem>> -> memref<1x!tpu.dma_semaphore, #tpu.memory_space<semaphore_mem>>
        %dma_wait3A_162 = tpu.memref_squeeze %dma_wait3A_161 : memref<1x!tpu.dma_semaphore, #tpu.memory_space<semaphore_mem>> -> memref<!tpu.dma_semaphore, #tpu.memory_space<semaphore_mem>>
        %dma_wait3A_163 = arith.constant 0 : i32
        %dma_wait3A_164 = tpu.memref_slice %arg3[%mul3A_154, %dma_wait3A_163] : memref<500008x128xf32, #tpu.memory_space<hbm>> -> memref<64x128xf32, #tpu.memory_space<hbm>>
        %dma_wait3A_165 = arith.constant 0 : i32
        %dma_wait3A_166 = arith.constant 0 : i32
        %dma_wait3A_167 = tpu.memref_slice %arg5[%rem3A_73, %dma_wait3A_165, %dma_wait3A_166] : memref<2x64x128xf32, #tpu.memory_space<vmem>> -> memref<1x64x128xf32, #tpu.memory_space<vmem>>
        %dma_wait3A_168 = tpu.memref_squeeze %dma_wait3A_167 : memref<1x64x128xf32, #tpu.memory_space<vmem>> -> memref<64x128xf32, #tpu.memory_space<vmem>>
        tpu.wait_dma2 semaphore(%dma_wait3A_162 : memref<!tpu.dma_semaphore, #tpu.memory_space<semaphore_mem>>) src(%dma_wait3A_168 : memref<64x128xf32, #tpu.memory_space<vmem>>) dst(%dma_wait3A_164 : memref<64x128xf32, #tpu.memory_space<hbm>>)
      } else {
      }
      %iota3A = tpu.iota {dimensions = array<i32: 0>} : vector<16xi32>
      %add3A_104 = arith.constant 0 : i32
      %add3A_105 = vector.broadcast %add3A_104 : i32 to vector<16xi32>
      %add3A_106 = arith.addi %add3A_105, %iota3A : vector<16xi32>
      %iota3A_107 = tpu.iota {dimensions = array<i32: 0>} : vector<16xi32>
      %add3A_108 = arith.constant 16 : i32
      %add3A_109 = vector.broadcast %add3A_108 : i32 to vector<16xi32>
      %add3A_110 = arith.addi %add3A_109, %iota3A_107 : vector<16xi32>
      %iota3A_111 = tpu.iota {dimensions = array<i32: 0>} : vector<16xi32>
      %add3A_112 = arith.constant 32 : i32
      %add3A_113 = vector.broadcast %add3A_112 : i32 to vector<16xi32>
      %add3A_114 = arith.addi %add3A_113, %iota3A_111 : vector<16xi32>
      %iota3A_115 = tpu.iota {dimensions = array<i32: 0>} : vector<16xi32>
      %add3A_116 = arith.constant 48 : i32
      %add3A_117 = vector.broadcast %add3A_116 : i32 to vector<16xi32>
      %add3A_118 = arith.addi %add3A_117, %iota3A_115 : vector<16xi32>
      %iota3A_119 = tpu.iota {dimensions = array<i32: 0>} : vector<16xi32>
      %add3A_120 = arith.constant 0 : i32
      %add3A_121 = vector.broadcast %add3A_120 : i32 to vector<16xi32>
      %add3A_122 = arith.addi %add3A_121, %iota3A_119 : vector<16xi32>
      %iota3A_123 = tpu.iota {dimensions = array<i32: 0>} : vector<16xi32>
      %add3A_124 = arith.constant 16 : i32
      %add3A_125 = vector.broadcast %add3A_124 : i32 to vector<16xi32>
      %add3A_126 = arith.addi %add3A_125, %iota3A_123 : vector<16xi32>
      %iota3A_127 = tpu.iota {dimensions = array<i32: 0>} : vector<16xi32>
      %add3A_128 = arith.constant 32 : i32
      %add3A_129 = vector.broadcast %add3A_128 : i32 to vector<16xi32>
      %add3A_130 = arith.addi %add3A_129, %iota3A_127 : vector<16xi32>
      %iota3A_131 = tpu.iota {dimensions = array<i32: 0>} : vector<16xi32>
      %add3A_132 = arith.constant 48 : i32
      %add3A_133 = vector.broadcast %add3A_132 : i32 to vector<16xi32>
      %add3A_134 = arith.addi %add3A_133, %iota3A_131 : vector<16xi32>
      %barrier3A_135 = arith.constant 0 : index
      tpu.barrier barrier_id(%barrier3A_135)
      %mul3A_136 = arith.constant 64 : i32
      %mul3A_137 = arith.muli %add3A_76, %mul3A_136 : i32
      %dma_start3A_138 = arith.constant 0 : i32
      %dma_start3A_139 = arith.constant 0 : i32
      %dma_start3A_140 = tpu.memref_slice %arg5[%rem3A_73, %dma_start3A_138, %dma_start3A_139] : memref<2x64x128xf32, #tpu.memory_space<vmem>> -> memref<1x64x128xf32, #tpu.memory_space<vmem>>
      %dma_start3A_141 = tpu.memref_squeeze %dma_start3A_140 : memref<1x64x128xf32, #tpu.memory_space<vmem>> -> memref<64x128xf32, #tpu.memory_space<vmem>>
      %dma_start3A_142 = arith.constant 0 : i32
      %dma_start3A_143 = tpu.memref_slice %arg3[%mul3A_137, %dma_start3A_142] : memref<500008x128xf32, #tpu.memory_space<hbm>> -> memref<64x128xf32, #tpu.memory_space<hbm>>
      %dma_start3A_144 = tpu.memref_slice %arg7[%rem3A_73] : memref<2x!tpu.dma_semaphore, #tpu.memory_space<semaphore_mem>> -> memref<1x!tpu.dma_semaphore, #tpu.memory_space<semaphore_mem>>
      %dma_start3A_145 = tpu.memref_squeeze %dma_start3A_144 : memref<1x!tpu.dma_semaphore, #tpu.memory_space<semaphore_mem>> -> memref<!tpu.dma_semaphore, #tpu.memory_space<semaphore_mem>>
      %dma_start3A_146 = arith.constant 0 : i32
      %dma_start3A_147 = tpu.memref_slice %arg3[%mul3A_137, %dma_start3A_146] : memref<500008x128xf32, #tpu.memory_space<hbm>> -> memref<64x128xf32, #tpu.memory_space<hbm>>
      %dma_start3A_148 = arith.constant 0 : i32
      %dma_start3A_149 = arith.constant 0 : i32
      %dma_start3A_150 = tpu.memref_slice %arg5[%rem3A_73, %dma_start3A_148, %dma_start3A_149] : memref<2x64x128xf32, #tpu.memory_space<vmem>> -> memref<1x64x128xf32, #tpu.memory_space<vmem>>
      %dma_start3A_151 = tpu.memref_squeeze %dma_start3A_150 : memref<1x64x128xf32, #tpu.memory_space<vmem>> -> memref<64x128xf32, #tpu.memory_space<vmem>>
      tpu.enqueue_dma source(%dma_start3A_151 : memref<64x128xf32, #tpu.memory_space<vmem>>) target(%dma_start3A_147 : memref<64x128xf32, #tpu.memory_space<hbm>>) target_semaphore(%dma_start3A_145 : memref<!tpu.dma_semaphore, #tpu.memory_space<semaphore_mem>>)
    }
    %scan3A_23 = arith.constant 244 : i32
    %add3A_24 = arith.constant 7744 : i32
    %add3A_25 = arith.addi %add3A, %add3A_24 : i32
    %mul3A_26 = arith.constant 64 : i32
    %mul3A_27 = arith.muli %add3A_25, %mul3A_26 : i32
    %dma_wait3A = arith.constant 0 : i32
    %dma_wait3A_28 = arith.constant 0 : i32
    %dma_wait3A_29 = arith.constant 0 : i32
    %dma_wait3A_30 = arith.constant 0 : i32
    %dma_wait3A_31 = tpu.memref_slice %arg5[%dma_wait3A, %dma_wait3A_29, %dma_wait3A_30] : memref<2x64x128xf32, #tpu.memory_space<vmem>> -> memref<1x64x128xf32, #tpu.memory_space<vmem>>
    %dma_wait3A_32 = tpu.memref_squeeze %dma_wait3A_31 : memref<1x64x128xf32, #tpu.memory_space<vmem>> -> memref<64x128xf32, #tpu.memory_space<vmem>>
    %dma_wait3A_33 = arith.constant 0 : i32
    %dma_wait3A_34 = tpu.memref_slice %arg3[%mul3A_27, %dma_wait3A_33] : memref<500008x128xf32, #tpu.memory_space<hbm>> -> memref<64x128xf32, #tpu.memory_space<hbm>>
    %dma_wait3A_35 = tpu.memref_slice %arg7[%dma_wait3A_28] : memref<2x!tpu.dma_semaphore, #tpu.memory_space<semaphore_mem>> -> memref<1x!tpu.dma_semaphore, #tpu.memory_space<semaphore_mem>>
    %dma_wait3A_36 = tpu.memref_squeeze %dma_wait3A_35 : memref<1x!tpu.dma_semaphore, #tpu.memory_space<semaphore_mem>> -> memref<!tpu.dma_semaphore, #tpu.memory_space<semaphore_mem>>
    %dma_wait3A_37 = arith.constant 0 : i32
    %dma_wait3A_38 = tpu.memref_slice %arg3[%mul3A_27, %dma_wait3A_37] : memref<500008x128xf32, #tpu.memory_space<hbm>> -> memref<64x128xf32, #tpu.memory_space<hbm>>
    %dma_wait3A_39 = arith.constant 0 : i32
    %dma_wait3A_40 = arith.constant 0 : i32
    %dma_wait3A_41 = tpu.memref_slice %arg5[%dma_wait3A, %dma_wait3A_39, %dma_wait3A_40] : memref<2x64x128xf32, #tpu.memory_space<vmem>> -> memref<1x64x128xf32, #tpu.memory_space<vmem>>
    %dma_wait3A_42 = tpu.memref_squeeze %dma_wait3A_41 : memref<1x64x128xf32, #tpu.memory_space<vmem>> -> memref<64x128xf32, #tpu.memory_space<vmem>>
    tpu.wait_dma2 semaphore(%dma_wait3A_36 : memref<!tpu.dma_semaphore, #tpu.memory_space<semaphore_mem>>) src(%dma_wait3A_42 : memref<64x128xf32, #tpu.memory_space<vmem>>) dst(%dma_wait3A_38 : memref<64x128xf32, #tpu.memory_space<hbm>>)
    %add3A_43 = arith.constant 7776 : i32
    %add3A_44 = arith.addi %add3A, %add3A_43 : i32
    %mul3A_45 = arith.constant 64 : i32
    %mul3A_46 = arith.muli %add3A_44, %mul3A_45 : i32
    %dma_wait3A_47 = arith.constant 1 : i32
    %dma_wait3A_48 = arith.constant 1 : i32
    %dma_wait3A_49 = arith.constant 0 : i32
    %dma_wait3A_50 = arith.constant 0 : i32
    %dma_wait3A_51 = tpu.memref_slice %arg5[%dma_wait3A_47, %dma_wait3A_49, %dma_wait3A_50] : memref<2x64x128xf32, #tpu.memory_space<vmem>> -> memref<1x64x128xf32, #tpu.memory_space<vmem>>
    %dma_wait3A_52 = tpu.memref_squeeze %dma_wait3A_51 : memref<1x64x128xf32, #tpu.memory_space<vmem>> -> memref<64x128xf32, #tpu.memory_space<vmem>>
    %dma_wait3A_53 = arith.constant 0 : i32
    %dma_wait3A_54 = tpu.memref_slice %arg3[%mul3A_46, %dma_wait3A_53] : memref<500008x128xf32, #tpu.memory_space<hbm>> -> memref<64x128xf32, #tpu.memory_space<hbm>>
    %dma_wait3A_55 = tpu.memref_slice %arg7[%dma_wait3A_48] : memref<2x!tpu.dma_semaphore, #tpu.memory_space<semaphore_mem>> -> memref<1x!tpu.dma_semaphore, #tpu.memory_space<semaphore_mem>>
    %dma_wait3A_56 = tpu.memref_squeeze %dma_wait3A_55 : memref<1x!tpu.dma_semaphore, #tpu.memory_space<semaphore_mem>> -> memref<!tpu.dma_semaphore, #tpu.memory_space<semaphore_mem>>
    %dma_wait3A_57 = arith.constant 0 : i32
    %dma_wait3A_58 = tpu.memref_slice %arg3[%mul3A_46, %dma_wait3A_57] : memref<500008x128xf32, #tpu.memory_space<hbm>> -> memref<64x128xf32, #tpu.memory_space<hbm>>
    %dma_wait3A_59 = arith.constant 0 : i32
    %dma_wait3A_60 = arith.constant 0 : i32
    %dma_wait3A_61 = tpu.memref_slice %arg5[%dma_wait3A_47, %dma_wait3A_59, %dma_wait3A_60] : memref<2x64x128xf32, #tpu.memory_space<vmem>> -> memref<1x64x128xf32, #tpu.memory_space<vmem>>
    %dma_wait3A_62 = tpu.memref_squeeze %dma_wait3A_61 : memref<1x64x128xf32, #tpu.memory_space<vmem>> -> memref<64x128xf32, #tpu.memory_space<vmem>>
    tpu.wait_dma2 semaphore(%dma_wait3A_56 : memref<!tpu.dma_semaphore, #tpu.memory_space<semaphore_mem>>) src(%dma_wait3A_62 : memref<64x128xf32, #tpu.memory_space<vmem>>) dst(%dma_wait3A_58 : memref<64x128xf32, #tpu.memory_space<hbm>>)
    %add3A_63 = arith.constant 7808 : i32
    %add3A_64 = arith.addi %add3A_63, %add3A : i32
    %lt3A = arith.constant 4 : i32
    %lt3A_65 = arith.cmpi slt, %add3A, %lt3A : i32
    %convert_element_type3A = arith.extui %lt3A_65 : i1 to i32
    %cond3A = arith.constant 0 : i32
    %cond3A_66 = arith.cmpi ne, %convert_element_type3A, %cond3A : i32
    scf.if %cond3A_66 {
      %mul3A_72 = arith.constant 128 : i32
      %mul3A_73 = arith.muli %add3A_64, %mul3A_72 : i32
      %run_scoped3A = arith.constant 0 : i32
      "tpu.region"() ({
        %run_scoped3A_105 = tpu.sem_alloc : memref<!tpu.dma_semaphore, #tpu.memory_space<semaphore_mem>>
        %dma_start3A_106 = arith.constant 0 : i32
        %dma_start3A_107 = arith.constant 0 : i32
        %dma_start3A_108 = tpu.memref_slice %arg4[%run_scoped3A, %dma_start3A_106, %dma_start3A_107] : memref<2x64x128xf32, #tpu.memory_space<vmem>> -> memref<1x64x128xf32, #tpu.memory_space<vmem>>
        %dma_start3A_109 = tpu.memref_squeeze %dma_start3A_108 : memref<1x64x128xf32, #tpu.memory_space<vmem>> -> memref<64x128xf32, #tpu.memory_space<vmem>>
        %dma_start3A_110 = arith.constant 0 : i32
        %dma_start3A_111 = tpu.memref_slice %arg2[%dma_start3A_110, %mul3A_73] : memref<64x1000001xf32, #tpu.memory_space<hbm>> -> memref<64x128xf32, #tpu.memory_space<hbm>>
        %dma_start3A_112 = arith.constant 0 : i32
        %dma_start3A_113 = arith.constant 0 : i32
        %dma_start3A_114 = tpu.memref_slice %arg4[%run_scoped3A, %dma_start3A_112, %dma_start3A_113] : memref<2x64x128xf32, #tpu.memory_space<vmem>> -> memref<1x64x128xf32, #tpu.memory_space<vmem>>
        %dma_start3A_115 = tpu.memref_squeeze %dma_start3A_114 : memref<1x64x128xf32, #tpu.memory_space<vmem>> -> memref<64x128xf32, #tpu.memory_space<vmem>>
        %dma_start3A_116 = arith.constant 0 : i32
        %dma_start3A_117 = tpu.memref_slice %arg2[%dma_start3A_116, %mul3A_73] : memref<64x1000001xf32, #tpu.memory_space<hbm>> -> memref<64x128xf32, #tpu.memory_space<hbm>>
        tpu.enqueue_dma source(%dma_start3A_117 : memref<64x128xf32, #tpu.memory_space<hbm>>) target(%dma_start3A_115 : memref<64x128xf32, #tpu.memory_space<vmem>>) target_semaphore(%run_scoped3A_105 : memref<!tpu.dma_semaphore, #tpu.memory_space<semaphore_mem>>)
        %dma_wait3A_118 = arith.constant 0 : i32
        %dma_wait3A_119 = arith.constant 0 : i32
        %dma_wait3A_120 = tpu.memref_slice %arg4[%run_scoped3A, %dma_wait3A_118, %dma_wait3A_119] : memref<2x64x128xf32, #tpu.memory_space<vmem>> -> memref<1x64x128xf32, #tpu.memory_space<vmem>>
        %dma_wait3A_121 = tpu.memref_squeeze %dma_wait3A_120 : memref<1x64x128xf32, #tpu.memory_space<vmem>> -> memref<64x128xf32, #tpu.memory_space<vmem>>
        %dma_wait3A_122 = arith.constant 0 : i32
        %dma_wait3A_123 = tpu.memref_slice %arg2[%dma_wait3A_122, %mul3A_73] : memref<64x1000001xf32, #tpu.memory_space<hbm>> -> memref<64x128xf32, #tpu.memory_space<hbm>>
        %dma_wait3A_124 = arith.constant 0 : i32
        %dma_wait3A_125 = arith.constant 0 : i32
        %dma_wait3A_126 = tpu.memref_slice %arg4[%run_scoped3A, %dma_wait3A_124, %dma_wait3A_125] : memref<2x64x128xf32, #tpu.memory_space<vmem>> -> memref<1x64x128xf32, #tpu.memory_space<vmem>>
        %dma_wait3A_127 = tpu.memref_squeeze %dma_wait3A_126 : memref<1x64x128xf32, #tpu.memory_space<vmem>> -> memref<64x128xf32, #tpu.memory_space<vmem>>
        %dma_wait3A_128 = arith.constant 0 : i32
        %dma_wait3A_129 = tpu.memref_slice %arg2[%dma_wait3A_128, %mul3A_73] : memref<64x1000001xf32, #tpu.memory_space<hbm>> -> memref<64x128xf32, #tpu.memory_space<hbm>>
        tpu.wait_dma2 semaphore(%run_scoped3A_105 : memref<!tpu.dma_semaphore, #tpu.memory_space<semaphore_mem>>) src(%dma_wait3A_129 : memref<64x128xf32, #tpu.memory_space<hbm>>) dst(%dma_wait3A_127 : memref<64x128xf32, #tpu.memory_space<vmem>>)
        tpu.yield
      }) : () -> ()
      %iota3A = tpu.iota {dimensions = array<i32: 0>} : vector<16xi32>
      %add3A_74 = arith.constant 0 : i32
      %add3A_75 = vector.broadcast %add3A_74 : i32 to vector<16xi32>
      %add3A_76 = arith.addi %add3A_75, %iota3A : vector<16xi32>
      %iota3A_77 = tpu.iota {dimensions = array<i32: 0>} : vector<16xi32>
      %add3A_78 = arith.constant 16 : i32
      %add3A_79 = vector.broadcast %add3A_78 : i32 to vector<16xi32>
      %add3A_80 = arith.addi %add3A_79, %iota3A_77 : vector<16xi32>
      %iota3A_81 = tpu.iota {dimensions = array<i32: 0>} : vector<16xi32>
      %add3A_82 = arith.constant 32 : i32
      %add3A_83 = vector.broadcast %add3A_82 : i32 to vector<16xi32>
      %add3A_84 = arith.addi %add3A_83, %iota3A_81 : vector<16xi32>
      %iota3A_85 = tpu.iota {dimensions = array<i32: 0>} : vector<16xi32>
      %add3A_86 = arith.constant 48 : i32
      %add3A_87 = vector.broadcast %add3A_86 : i32 to vector<16xi32>
      %add3A_88 = arith.addi %add3A_87, %iota3A_85 : vector<16xi32>
      %iota3A_89 = tpu.iota {dimensions = array<i32: 0>} : vector<16xi32>
      %add3A_90 = arith.constant 0 : i32
      %add3A_91 = vector.broadcast %add3A_90 : i32 to vector<16xi32>
      %add3A_92 = arith.addi %add3A_91, %iota3A_89 : vector<16xi32>
      %iota3A_93 = tpu.iota {dimensions = array<i32: 0>} : vector<16xi32>
      %add3A_94 = arith.constant 16 : i32
      %add3A_95 = vector.broadcast %add3A_94 : i32 to vector<16xi32>
      %add3A_96 = arith.addi %add3A_95, %iota3A_93 : vector<16xi32>
      %iota3A_97 = tpu.iota {dimensions = array<i32: 0>} : vector<16xi32>
      %add3A_98 = arith.constant 32 : i32
      %add3A_99 = vector.broadcast %add3A_98 : i32 to vector<16xi32>
      %add3A_100 = arith.addi %add3A_99, %iota3A_97 : vector<16xi32>
      %iota3A_101 = tpu.iota {dimensions = array<i32: 0>} : vector<16xi32>
      %add3A_102 = arith.constant 48 : i32
      %add3A_103 = vector.broadcast %add3A_102 : i32 to vector<16xi32>
      %add3A_104 = arith.addi %add3A_103, %iota3A_101 : vector<16xi32>
    } else {
    }
    %barrier3A = arith.constant 0 : index
    tpu.barrier barrier_id(%barrier3A)
    %lt3A_67 = arith.constant 4 : i32
    %lt3A_68 = arith.cmpi slt, %add3A, %lt3A_67 : i32
    %convert_element_type3A_69 = arith.extui %lt3A_68 : i1 to i32
    %cond3A_70 = arith.constant 0 : i32
    %cond3A_71 = arith.cmpi ne, %convert_element_type3A_69, %cond3A_70 : i32
    scf.if %cond3A_71 {
      %mul3A_72 = arith.constant 64 : i32
      %mul3A_73 = arith.muli %add3A_64, %mul3A_72 : i32
      %run_scoped3A = arith.constant 0 : i32
      "tpu.region"() ({
        %run_scoped3A_74 = tpu.sem_alloc : memref<!tpu.dma_semaphore, #tpu.memory_space<semaphore_mem>>
        %dma_start3A_75 = arith.constant 0 : i32
        %dma_start3A_76 = arith.constant 0 : i32
        %dma_start3A_77 = tpu.memref_slice %arg5[%run_scoped3A, %dma_start3A_75, %dma_start3A_76] : memref<2x64x128xf32, #tpu.memory_space<vmem>> -> memref<1x64x128xf32, #tpu.memory_space<vmem>>
        %dma_start3A_78 = tpu.memref_squeeze %dma_start3A_77 : memref<1x64x128xf32, #tpu.memory_space<vmem>> -> memref<64x128xf32, #tpu.memory_space<vmem>>
        %dma_start3A_79 = arith.constant 0 : i32
        %dma_start3A_80 = tpu.memref_slice %arg3[%mul3A_73, %dma_start3A_79] : memref<500008x128xf32, #tpu.memory_space<hbm>> -> memref<64x128xf32, #tpu.memory_space<hbm>>
        %dma_start3A_81 = arith.constant 0 : i32
        %dma_start3A_82 = tpu.memref_slice %arg3[%mul3A_73, %dma_start3A_81] : memref<500008x128xf32, #tpu.memory_space<hbm>> -> memref<64x128xf32, #tpu.memory_space<hbm>>
        %dma_start3A_83 = arith.constant 0 : i32
        %dma_start3A_84 = arith.constant 0 : i32
        %dma_start3A_85 = tpu.memref_slice %arg5[%run_scoped3A, %dma_start3A_83, %dma_start3A_84] : memref<2x64x128xf32, #tpu.memory_space<vmem>> -> memref<1x64x128xf32, #tpu.memory_space<vmem>>
        %dma_start3A_86 = tpu.memref_squeeze %dma_start3A_85 : memref<1x64x128xf32, #tpu.memory_space<vmem>> -> memref<64x128xf32, #tpu.memory_space<vmem>>
        tpu.enqueue_dma source(%dma_start3A_86 : memref<64x128xf32, #tpu.memory_space<vmem>>) target(%dma_start3A_82 : memref<64x128xf32, #tpu.memory_space<hbm>>) target_semaphore(%run_scoped3A_74 : memref<!tpu.dma_semaphore, #tpu.memory_space<semaphore_mem>>)
        %dma_wait3A_87 = arith.constant 0 : i32
        %dma_wait3A_88 = arith.constant 0 : i32
        %dma_wait3A_89 = tpu.memref_slice %arg5[%run_scoped3A, %dma_wait3A_87, %dma_wait3A_88] : memref<2x64x128xf32, #tpu.memory_space<vmem>> -> memref<1x64x128xf32, #tpu.memory_space<vmem>>
        %dma_wait3A_90 = tpu.memref_squeeze %dma_wait3A_89 : memref<1x64x128xf32, #tpu.memory_space<vmem>> -> memref<64x128xf32, #tpu.memory_space<vmem>>
        %dma_wait3A_91 = arith.constant 0 : i32
        %dma_wait3A_92 = tpu.memref_slice %arg3[%mul3A_73, %dma_wait3A_91] : memref<500008x128xf32, #tpu.memory_space<hbm>> -> memref<64x128xf32, #tpu.memory_space<hbm>>
        %dma_wait3A_93 = arith.constant 0 : i32
        %dma_wait3A_94 = tpu.memref_slice %arg3[%mul3A_73, %dma_wait3A_93] : memref<500008x128xf32, #tpu.memory_space<hbm>> -> memref<64x128xf32, #tpu.memory_space<hbm>>
        %dma_wait3A_95 = arith.constant 0 : i32
        %dma_wait3A_96 = arith.constant 0 : i32
        %dma_wait3A_97 = tpu.memref_slice %arg5[%run_scoped3A, %dma_wait3A_95, %dma_wait3A_96] : memref<2x64x128xf32, #tpu.memory_space<vmem>> -> memref<1x64x128xf32, #tpu.memory_space<vmem>>
        %dma_wait3A_98 = tpu.memref_squeeze %dma_wait3A_97 : memref<1x64x128xf32, #tpu.memory_space<vmem>> -> memref<64x128xf32, #tpu.memory_space<vmem>>
        tpu.wait_dma2 semaphore(%run_scoped3A_74 : memref<!tpu.dma_semaphore, #tpu.memory_space<semaphore_mem>>) src(%dma_wait3A_98 : memref<64x128xf32, #tpu.memory_space<vmem>>) dst(%dma_wait3A_94 : memref<64x128xf32, #tpu.memory_space<hbm>>)
        tpu.yield
      }) : () -> ()
    } else {
    }
    return
  }
}

</mosaic_0001>

<sc_bundles>
// kernel: _pack_table.3.cloned.1.call-start
scs
__scs_entry_jumppad:
0x0: {  	(pc) =	sbr.rel $0x88, $3  }
0x1: {  	(tag) =	ssettag $0x0;
	lr =	simm.s32 $0x1  }
0x2: {  	[smem:$0x3FA0] =	sst lr;
	_ =	strace $0xD0000000  }
0x3: {  	_ = 	snop  }
0x4: {  	_ = 	snop  }
0x5: {  	_ = 	snop  }
0x6: {  	_ = 	snop  }
0x7: {  	_ = 	snop  }
__scs_overlays_trampoline_lowered:
0x8: {  	[smem:$0x3FAF] =	sst s0  }
0x9: {  	[smem:$0x3FB0] =	sst s1  }
0xa: {  	[smem:$0x3FB1] =	sst s2  }
0xb: {  	[smem:$0x3FB2] =	sst s3  }
0xc: {  	[smem:$0x3FB3] =	sst s4  }
0xd: {  	[smem:$0x3FB4] =	sst s5  }
0xe: {  	[smem:$0x3FB5] =	sst s6  }
0xf: {  	[smem:$0x3FB6] =	sst s7  }
0x10: {  	[smem:$0x3FB7] =	sst s8  }
0x11: {  	[smem:$0x3FB8] =	sst s9;
	s0 =	simm.s32 @!p0 $0x0  }
0x12: {  	s1 =	sld [smem:$0x3F9E];
	s0 =	simm.s32 @p0 $0x1  }
0x13: {  	[smem:$0x3FB9] =	sst s0;
	s0 =	simm.s32 @!p1 $0x0  }
0x14: {  	s2 =	sld [smem:$0x3F9D];
	s0 =	simm.s32 @p1 $0x1  }
0x15: {  	[smem:$0x3FBA] =	sst s0;
	s0 =	simm.s32 @!p2 $0x0  }
0x16: {  	s3 =	sld [smem:$0x3FDB];
	s0 =	simm.s32 @p2 $0x1  }
0x17: {  	s4 =	simm.s32 $0x1BF5;
	[smem:$0x3FBC] =	sst s0  }
0x18: {  	s0 =	sld [smem:$0x3F9F];
	_ =	swait.ge [sflag:s4], $0x0  }
0x19: {  	s7 =	sld [smem:$0x3FA0]  }
0x1a: {  	s8 =	sadd.s32 $0xFFFFE003, lr  }
0x1b: {  	s9 =	sadd.s32 $0xFFFFFEF7, lr;
	s5 =	simm.s32 $0xFFFFFFFF;
	p2 =	slt.u32 s8, $0xFFFFF086  }
0x1c: {  	p1 =	slt.u32 s9, $0xF7A;
	s5 =	simm.s32 @!p2 $0x0  }
0x1d: {  	s5 =	simm.s32 @p1 $0x1;
	p0 =	seq.s32 s7, s2  }
0x1e: {  	s7 =	smul.u32 @!p0 $0xF7A, s2;
	p2 =	seq.s32 @!p0 s5, $0x0  }
0x1f: {  	s9 =	smul.u32 $0xF7A, s1;
	s8 =	simm.s32 @!p0 $0x1BF5;
	p2 =	por !p2, p0  }
0x20: {  	[sflag:s8] =	ssyncset.s32 @!p0 $0xFFFFF086;
	s6 =	sadd.s32 @!p0 s3, s7;
	s7 =	simm.s32 @!p0 $0x108  }
0x21: {  	s3 =	sadd.s32 s3, s9;
	s6 =	sadd.s32 @!p0 $0x88, s6;
	s7 =	simm.s32 @p2 $0x1082  }
0x22: {  	[simem:s7], [sflag:s8] =	dma.local @!p0 [hbm:s6], $0xF7A  }
0x23: {  	s9 =	sor.u32 $0xD0000000, s2;
	s6 =	simm.s32 $0x108;
	_ =	swait.ge @!p0 [sflag:s8], $0x0  }
0x24: {  	s3 =	sadd.s32 $0x88, s3;
	s6 =	simm.s32 @!p1 $0x1082;
	[sflag:s4] =	ssyncset.s32 $0xFFFFF086  }
0x25: {  	[simem:s6], [sflag:s4] =	dma.local [hbm:s3], $0xF7A  }
0x26: {  	[smem:$0x3FA0] =	sst s1;
	(tag) =	ssettag s2;
	_ =	strace s9  }
0x27: {  	s1 =	sld [smem:$0x3FB0]  }
0x28: {  	s2 =	sld [smem:$0x3FB1]  }
0x29: {  	s4 =	sld [smem:$0x3FB3]  }
0x2a: {  	p0 =	seq.s32 s5, $0x0;
	s5 =	sld [smem:$0x3FB4]  }
0x2b: {  	s6 =	sld [smem:$0x3FB5]  }
0x2c: {  	s7 =	sld [smem:$0x3FB6]  }
0x2d: {  	s3 =	simm.s32 $0x108;
	s8 =	sld [smem:$0x3FB7]  }
0x2e: {  	s3 =	simm.s32 @!p0 $0x1082;
	s9 =	sld [smem:$0x3FB8]  }
0x2f: {  	lr =	sadd.s32 s0, s3;
	s0 =	sld [smem:$0x3FAF]  }
0x30: {  	s3 =	sld [smem:$0x3FB2]  }
0x31: {  	[smem:$0x3FBB] =	sst s10  }
0x32: {  	s10 =	sld [smem:$0x3FB9];
	_ =	sdelay $0x3  }
0x33: {  	p0 =	seq.s32 s10, $0x1;
	s10 =	sld [smem:$0x3FBB];
	_ =	sdelay $0x3  }
0x34: {  	[smem:$0x3FBB] =	sst s10  }
0x35: {  	s10 =	sld [smem:$0x3FBA];
	_ =	sdelay $0x3  }
0x36: {  	p1 =	seq.s32 s10, $0x1;
	s10 =	sld [smem:$0x3FBB];
	_ =	sdelay $0x3  }
0x37: {  	[smem:$0x3FBB] =	sst s10  }
0x38: {  	s10 =	sld [smem:$0x3FBC]  }
0x39: {  	_ = 	snop;
	(pc) =	sbr.ind lr, $3  }
0x3a: {  	_ = 	snop  }
0x3b: {  	_ = 	snop  }
0x3c: {  	p2 =	seq.s32 s10, $0x1;
	s10 =	sld [smem:$0x3FBB]  }
0x3d: {  	_ =	shalt  }
0x3e: {  	_ =	shalt  }
0x3f: {  	_ =	shalt  }
0x40: {  	_ =	shalt  }
0x41: {  	_ =	shalt  }
0x42: {  	_ =	shalt  }
0x43: {  	_ =	shalt  }
0x44: {  	_ =	shalt  }
0x45: {  	_ =	shalt  }
0x46: {  	_ =	shalt  }
0x47: {  	_ =	shalt  }
0x48: {  	_ =	shalt  }
0x49: {  	_ =	shalt  }
0x4a: {  	_ =	shalt  }
0x4b: {  	_ =	shalt  }
0x4c: {  	_ =	shalt  }
0x4d: {  	_ =	shalt  }
0x4e: {  	_ =	shalt  }
0x4f: {  	_ =	shalt  }
0x50: {  	_ =	shalt  }
0x51: {  	_ =	shalt  }
0x52: {  	_ =	shalt  }
0x53: {  	_ =	shalt  }
0x54: {  	_ =	shalt  }
0x55: {  	_ =	shalt  }
0x56: {  	_ =	shalt  }
0x57: {  	_ =	shalt  }
0x58: {  	_ =	shalt  }
0x59: {  	_ =	shalt  }
0x5a: {  	_ =	shalt  }
0x5b: {  	_ =	shalt  }
0x5c: {  	_ =	shalt  }
0x5d: {  	_ =	shalt  }
0x5e: {  	_ =	shalt  }
0x5f: {  	_ =	shalt  }
0x60: {  	_ =	shalt  }
0x61: {  	_ =	shalt  }
0x62: {  	_ =	shalt  }
0x63: {  	_ =	shalt  }
0x64: {  	_ =	shalt  }
0x65: {  	_ =	shalt  }
0x66: {  	_ =	shalt  }
0x67: {  	_ =	shalt  }
0x68: {  	_ =	shalt  }
0x69: {  	_ =	shalt  }
0x6a: {  	_ =	shalt  }
0x6b: {  	_ =	shalt  }
0x6c: {  	_ =	shalt  }
0x6d: {  	_ =	shalt  }
0x6e: {  	_ =	shalt  }
0x6f: {  	_ =	shalt  }
0x70: {  	_ =	shalt  }
0x71: {  	_ =	shalt  }
0x72: {  	_ =	shalt  }
0x73: {  	_ =	shalt  }
0x74: {  	_ =	shalt  }
0x75: {  	_ =	shalt  }
0x76: {  	_ =	shalt  }
0x77: {  	_ =	shalt  }
0x78: {  	_ =	shalt  }
0x79: {  	_ =	shalt  }
0x7a: {  	_ =	shalt  }
0x7b: {  	_ =	shalt  }
0x7c: {  	_ =	shalt  }
0x7d: {  	_ =	shalt  }
0x7e: {  	_ =	shalt  }
0x7f: {  	_ =	shalt  }
0x80: {  	_ =	shalt  }
0x81: {  	_ =	shalt  }
0x82: {  	_ =	shalt  }
0x83: {  	_ =	shalt  }
0x84: {  	_ =	shalt  }
0x85: {  	_ =	shalt  }
0x86: {  	_ =	shalt  }
0x87: {  	_ =	shalt  }
.Lfunc_end0:
.L_simem_size_0:
called_computation_lowered:
.L_overlay_start_0:
0x88: {  	s2 =	sld [smem:$0x3FD9]  }
0x89: {  	s3 =	sld [smem:$0x3FFE];
	_ =	sdelay $0x1  }
0x8a: {  	s1 =	srdreg.scid  }
0x8b: {  	s0 =	sand.u32 $0x1, s1  }
0x8c: {  	s18 =	sshll.u32 s0, $0xA;
	s2 =	sadd.s32 s3, s2  }
0x8d: {  	s2 =	sadd.s32 s2, s18  }
0x8e: {  	[smem:$0x3FC7] =	sst s2  }
0x8f: {  	_ = 	snop  }
0x90: {  	s2 =	sld [smem:$0x3FC9]  }
0x91: {  	s19 =	sld [smem:$0x3FD0];
	(tm) =	ssettm $0x1  }
0x92: {  	s4 =	sld [smem:$0x3FFB];
	_ =	sdelay $0x3  }
0x93: {  	_ =	strace s4  }
0x94: {  	s4 =	sld [smem:$0x3FFC];
	_ =	sdelay $0x3  }
0x95: {  	_ =	strace s4  }
0x96: {  	s4 =	sld [smem:$0x3FFD];
	_ =	sdelay $0x3  }
0x97: {  	_ =	strace s4  }
0x98: {  	_ =	strace $0x8FFFFFFF  }
0x99: {  	s20 =	sld [smem:$0x3FDB];
	_ =	sdelay $0x1  }
0x9a: {  	s5 =	simm.s32 $_scs_section_size  }
0x9b: {  	s6 =	simm.s32 $_size__tile_overlayer_lowered;
	s7 =	simm.s32 $_tile_overlayer_lowered  }
0x9c: {  	s23 =	simm.s32 $0x1BFF;
	s22 =	sshll.u32 s7, $0x1;
	s4 =	sadd.s32 s5, s20  }
0x9d: {  	s8 =	simm.s32 $0x0;
	s21 =	sshll.u32 s6, $0x1;
	s6 =	sadd.s32 s22, s4  }
0x9e: {  	[timem:s8], [sflag:s23] =	dma.local [hbm:s6], s21  }
0x9f: {  	_ =	swait.ge [sflag:s23], s21  }
0xa0: {  	s5 =	ssub.s32 $0x0, s21;
	[sflag:s23] =	ssyncset.done $0x0  }
0xa1: {  	[sflag:s23] =	ssyncadd.s32 s5;
	_ =	sdelay $0x1  }
0xa2: {  	s24 =	simm.s32 $0x1B8B  }
0xa3: {  	_ =	swait.ge [sflag:s24], $0x1  }
0xa4: {  	[sflag:s24] =	ssyncset.done $0x0  }
0xa5: {  	s25 =	simm.s32 $0x1B8E;
	[sflag:s24] =	ssyncadd.s32 $0xFFFFFFFF  }
0xa6: {  	s26 =	simm.s32 $execute0_lowered;
	[smem:$0x3FD2] =	sst s25  }
0xa7: {  	s5 =	sshll.u32 s26, $0x1;
	_ =	strace $0x80000046;
	[dreg:$0x1] =	wrdreg $0xFFFFFFFF  }
0xa8: {  	s28 =	simm.s32 $_size_execute0_lowered;
	s4 =	sadd.s32 s4, s5;
	[dreg:$0x0] =	wrdreg $0x0  }
0xa9: {  	s5 =	sshll.u32 s28, $0x1;
	[dreg:$0x2] =	wrdreg s4  }
0xaa: {  	[dreg:$0x3] =	wrdreg s5  }
0xab: {  	[dreg:$0x4] =	wrdreg $0xC0  }
0xac: {  	_ =	task [dreg:s8], $0x5FFFF  }
0xad: {  	[dreg:$0x1] =	wrdreg $0xFFFFFFFF  }
0xae: {  	[dreg:$0x0] =	wrdreg $0x60  }
0xaf: {  	[dreg:$0x2] =	wrdreg s2  }
0xb0: {  	[dreg:$0x3] =	wrdreg s19  }
0xb1: {  	[dreg:$0x4] =	wrdreg $0x9  }
0xb2: {  	_ =	task.clear_ibuf [dreg:s8], $0x5FFFF;
	_ =	strace $0x90000046  }
0xb3: {  	s29 =	simm.s32 $0x9;
	_ =	strace $0x80000048  }
0xb4: {  	_ =	swait.ge [sflag:s29], $0x1  }
0xb5: {  	[sflag:s29] =	ssyncadd.s32 $0xFFFFFFFF  }
0xb6: {  	_ =	strace $0x90000048  }
0xb7: {  	_ =	sfence  }
0xb8: {  	s30 =	sld [smem:$0x0];
	_ =	sdelay $0x2  }
0xb9: {  	s31 =	sshll.u32 s1, $0xD;
	s1 =	sshrl.u32 s1, $0x2  }
0xba: {  	s3 =	sand.u32 $0x4000, s31;
	s1 =	sadd.s32 s1, s30  }
0xbb: {  	s0 =	sor.u32 s3, s0;
	s1 =	sshll.u32 s1, $0x11  }
0xbc: {  	s0 =	sor.u32 s1, s0  }
0xbd: {  	s0 =	sadd.s32 $0x8F2B, s0  }
0xbe: {  	[sflag:s0] =	ssyncadd.remote.s32 $0x1  }
0xbf: {  	_ =	sfence.sel $0xFFFF  }
0xc0: {  	[dreg:$0x0] =	wrdreg $0xFFFFFFFF;
	(pc) =	sbr.abs _section_cstart, $3  }
0xc1: {  	[dreg:$0x1] =	wrdreg $0xFFFFFFFF  }
0xc2: {  	_ =	task.clear_ibuf [dreg:s8], $0x2FFFF;
	_ =	strace $0x9FFFFFFF  }
0xc3: {  	(tm) =	ssettm $0x7FFFFFFF  }
tec
execute0_lowered:
.L_overlay_start_1:
0x0: {  	(tag) =	ssettag $0x1  }
0x1: {  	s0 =	rddreg [dreg:$0x0]  }
0x2: {  	s1 =	rddreg [dreg:$0x1]  }
0x3: {  	s3 =	srdreg.scid;
	s17 =	stileid.u32  }
0x4: {  	s2 =	simm.s32 $0x0;
	s14 =	simm.s32 $0x400;
	s15 =	simm.s32 $0x7A1400  }
0x5: {  	s16 =	simm.s32 $0x1;
	s19 =	simm.s32 $0x6000;
	s20 =	simm.s32 $0x2  }
0x6: {  	s11 =	sand.u32 $0x1, s3;
	s21 =	sshll.u32 s17, $0x1;
	[smem:$0x7FF] =	sst s2  }
0x7: {  	s9 =	sadd.s32 $0x1000, s0;
	s29 =	sshll.u32 s17, $0xB;
	s13 =	sshll.u32 s17, $0x8  }
0x8: {  	p0 =	sgt.u32 s17, $0x1;
	s4 =	ssub.s32 $0x2, s11;
	s8 =	sor.u32 s11, s21  }
0x9: {  	_ =	strace $0x80000047;
	s30 =	sshll.u32 s11, $0xA;
	s31 =	sshll.u32 s11, $0x7  }
0xa: {  	s21 =	simm.s32 $0x4;
	s22 =	sshrl.u32 s4, $0x1;
	s7 =	sshll.u32 s8, $0x7  }
0xb: {  	s24 =	sor.u32 $0x1E80, s8;
	s26 =	sshll.u32 s8, $0xA;
	s12 =	sor.u32 $0x20, s8  }
0xc: {  	s6 =	ssub.s32 s4, s22;
	s23 =	sadd.s32 s0, s7;
	s5 =	sshll.u32 s24, $0x7  }
0xd: {  	s10 =	sshll.u32 s24, $0xA;
	s7 =	sadd.s32 s7, s9;
	s8 =	sadd.s32 s1, s26  }
0xe: {  	s28 =	sshll.u32 s12, $0x7;
	s12 =	sshll.u32 s12, $0xA;
	s22 =	simm.s32 $0x3  }
0xf: {  	[dreg:$0x3] =	wrdreg s23;
	s25 =	sadd.s32 s0, s5;
	s5 =	sadd.s32 s1, s10  }
0x10: {  	s6 =	smax.u32 s6, $0x1;
	s9 =	sadd.s32 s28, s9;
	s10 =	sadd.s32 s1, s12  }
0x11: {  	s1 =	sadd.s32 s29, s1;
	s0 =	sadd.s32 s13, s0;
	s11 =	sadd.s32 $0x798000, s8  }
0x12: {  	s23 =	simm.s32 $0x0;
	s1 =	sadd.s32 s30, s1;
	s0 =	sadd.s32 s31, s0  }
0x13: {  	[dreg:$0x4] =	wrdreg s25;
	s12 =	sadd.s32 $0x10000, s1;
	s13 =	sadd.s32 $0x3000, s0  }
.LBB2_1:
0x14: {  	s0 =	rddreg [dreg:$0x3]  }
0x15: {  	[tilespmem:s2], [sflag:$0x1] =	stream.strided.gather [hbm4b:s0+s14], $0x2000, s15, s14, $0x38;
	[tilespmem:$0x8000] =	vst v63  }
0x16: {  	_ =	swait.ge [sflag:s16], $0x2000  }
0x17: {  	[sflag:s16] =	ssyncset.done $0x0  }
0x18: {  	s1 =	simm.s32 $0x2000;
	[sflag:s16] =	ssyncadd.s32 $0xFFFFE000  }
0x19: {  	[tilespmem:s1], [sflag:$0x2] =	stream.strided.gather [hbm4b:s7+s14], $0x2000, s15, s14, $0x38;
	[tilespmem:$0x8000] =	vst v63  }
0x1a: {  	s3 =	simm.s32 $0x4000;
	[bflag:$0x0] =	sbarrier.arrive $0xFFFF  }
0x1b: {  	[hbm4b:s8+s2] =	stream.linear.scatter [tilespmem:s3], [sflag:$0x3], $0x2000, $0x38;
	[tilespmem:$0x8000] =	vst v63  }
0x1c: {  	_ =	swait.ge [sflag:s20], $0x2000  }
0x1d: {  	[sflag:s20] =	ssyncset.done $0x0  }
0x1e: {  	s4 =	sand.u32 $0x1, s20;
	[sflag:s20] =	ssyncadd.s32 $0xFFFFE000  }
0x1f: {  	[tilespmem:s2], [sflag:$0x1] =	stream.strided.gather [hbm4b:s9+s14], $0x2000, s15, s14, $0x38;
	[tilespmem:$0x8000] =	vst v63  }
0x20: {  	s1 =	sadd.s32 $0x1, s4;
	[bflag:$0x0] =	sbarrier.arrive $0xFFFF  }
0x21: {  	[hbm4b:s10+s2] =	stream.linear.scatter [tilespmem:s19], [sflag:$0x4], $0x2000, $0x38;
	[tilespmem:$0x8000] =	vst v63  }
0x22: {  	s24 =	simm.s32 $0x3;
	s31 =	smov.u32 s12;
	_ =	swait.ge [sflag:s1], $0x2000  }
0x23: {  	s25 =	sxor.u32 $0x1, s4;
	s30 =	sadd.s32 $0x3, s4;
	[sflag:s1] =	ssyncset.done $0x0  }
0x24: {  	s17 =	sshll.u32 s25, $0xD;
	s25 =	sadd.s32 $0x1, s25;
	[sflag:s1] =	ssyncadd.s32 $0xFFFFE000  }
0x25: {  	[tilespmem:s17], [sflag:s25] =	stream.strided.gather [hbm4b:s13+s14], $0x2000, s15, s14, $0x38;
	[tilespmem:$0x8000] =	vst v63  }
0x26: {  	s18 =	sshll.u32 s4, $0xD;
	s29 =	sand.u32 $0x1, s24;
	_ =	swait.ge [sflag:s30], $0x2000  }
0x27: {  	s0 =	simm.s32 $0x4;
	s24 =	sadd.s32 $0x8000, s12;
	[sflag:s30] =	ssyncset.done $0x0  }
0x28: {  	s28 =	sxor.u32 $0x1, s29;
	s26 =	sshll.u32 s29, $0xD;
	[sflag:s30] =	ssyncadd.s32 $0xFFFFE000  }
0x29: {  	s1 =	sor.u32 $0x4000, s18;
	s25 =	sadd.s32 $0x1000, s13;
	[bflag:$0x0] =	sbarrier.arrive $0xFFFF  }
.LBB2_2:
0x2a: {  	[hbm4b:s31+s2] =	stream.linear.scatter [tilespmem:s1], [sflag:s30], $0x2000, $0x38;
	[tilespmem:$0x8000] =	vst v63  }
0x2b: {  	s1 =	smov.u32 s0  }
0x2c: {  	s17 =	smov.u32 s26;
	s31 =	smov.u32 s24;
	s18 =	sadd.s32 $0x1, s0  }
0x2d: {  	s3 =	sadd.s32 $0x1, s29;
	p1 =	sne.s32 s0, $0xF2;
	s1 =	sand.u32 $0x1, s1  }
0x2e: {  	s4 =	sxor.u32 $0x1, s1;
	s26 =	sshll.u32 s1, $0xD;
	_ =	swait.ge [sflag:s3], $0x2000  }
0x2f: {  	s30 =	sadd.s32 $0x3, s29;
	s0 =	sshll.u32 s28, $0xD;
	[sflag:s3] =	ssyncset.done $0x0  }
0x30: {  	s29 =	smov.u32 s1;
	[sflag:s3] =	ssyncadd.s32 $0xFFFFE000;
	s3 =	sadd.s32 $0x1, s28  }
0x31: {  	[tilespmem:s0], [sflag:s3] =	stream.strided.gather [hbm4b:s25+s14], $0x2000, s15, s14, $0x38;
	[tilespmem:$0x8000] =	vst v63  }
.Ltmp0:
0x32: {  	s28 =	smov.u32 s4;
	_ =	swait.ge [sflag:s30], $0x2000;
	(pc) =	sbr.rel @p1 .LBB2_2-.Ltmp0, $4  }
0x33: {  	[sflag:s30] =	ssyncset.done $0x0  }
0x34: {  	s25 =	sadd.s32 $0x1000, s25;
	[sflag:s30] =	ssyncadd.s32 $0xFFFFE000  }
0x35: {  	[bflag:$0x0] =	sbarrier.arrive $0xFFFF  }
0x36: {  	s24 =	sadd.s32 $0x8000, s24;
	s1 =	sor.u32 $0x4000, s17;
	s0 =	smov.u32 s18  }
0x37: {  	[hbm4b:s31+s2] =	stream.linear.scatter [tilespmem:s1], [sflag:s30], $0x2000, $0x38;
	[tilespmem:$0x8000] =	vst v63  }
0x38: {  	s0 =	sadd.s32 $0x1, s29  }
0x39: {  	_ =	swait.ge [sflag:s0], $0x2000  }
0x3a: {  	s29 =	sadd.s32 $0x3, s29;
	[sflag:s0] =	ssyncset.done $0x0  }
0x3b: {  	s30 =	sshll.u32 s28, $0xD;
	s3 =	sadd.s32 $0x1, s28;
	[sflag:s0] =	ssyncadd.s32 $0xFFFFE000  }
0x3c: {  	[tilespmem:s30], [sflag:s3] =	stream.strided.gather [hbm4b:s25+s14], $0x2000, s15, s14, $0x38;
	[tilespmem:$0x8000] =	vst v63  }
0x3d: {  	_ =	swait.ge [sflag:s29], $0x2000  }
0x3e: {  	[sflag:s29] =	ssyncset.done $0x0  }
0x3f: {  	[sflag:s29] =	ssyncadd.s32 $0xFFFFE000  }
0x40: {  	s31 =	sor.u32 $0x4000, s26;
	[bflag:$0x0] =	sbarrier.arrive $0xFFFF  }
0x41: {  	[hbm4b:s24+s2] =	stream.linear.scatter [tilespmem:s31], [sflag:s29], $0x2000, $0x38;
	[tilespmem:$0x8000] =	vst v63  }
0x42: {  	_ =	swait.ge [sflag:s20], $0x2000  }
0x43: {  	[sflag:s20] =	ssyncset.done $0x0  }
0x44: {  	[sflag:s20] =	ssyncadd.s32 $0xFFFFE000  }
0x45: {  	_ =	swait.ge [sflag:s21], $0x2000  }
0x46: {  	[sflag:s21] =	ssyncset.done $0x0  }
0x47: {  	[sflag:s21] =	ssyncadd.s32 $0xFFFFE000  }
0x48: {  	[bflag:$0x0] =	sbarrier.arrive $0xFFFF  }
0x49: {  	[hbm4b:s11+s2] =	stream.linear.scatter [tilespmem:s19], [sflag:$0x4], $0x2000, $0x38;
	[tilespmem:$0x8000] =	vst v63  }
0x4a: {  	_ =	swait.ge [sflag:s22], $0x2000  }
0x4b: {  	[sflag:s22] =	ssyncset.done $0x0  }
0x4c: {  	[sflag:s22] =	ssyncadd.s32 $0xFFFFE000  }
0x4d: {  	_ =	swait.ge [sflag:s21], $0x2000  }
0x4e: {  	[sflag:s21] =	ssyncset.done $0x0  }
0x4f: {  	[sflag:s21] =	ssyncadd.s32 $0xFFFFE000  }
0x50: {  	s1 =	simm.s32 @!p0 $0x7A1400;
	[bflag:$0x0] =	sbarrier.arrive @p0 $0xFFFF  }
0x51: {  	s0 =	simm.s32 @!p0 $0x400;
	s3 =	simm.s32 @!p0 $0x0;
	s4 =	rddreg [dreg:$0x4]  }
0x52: {  	[tilespmem:s3], [sflag:$0x5] =	stream.strided.gather @!p0 [hbm4b:s4+s0], $0x2000, s1, s0, $0x38;
	[tilespmem:$0x8000] =	vst v63  }
0x53: {  	s0 =	simm.s32 @!p0 $0x5  }
0x54: {  	_ =	swait.ge @!p0 [sflag:s0], $0x2000  }
0x55: {  	s23 =	sadd.s32 $0x1, s23;
	[sflag:s0] =	ssyncset.done @!p0 $0x0  }
0x56: {  	p1 =	sne.s32 s23, s6;
	[sflag:s0] =	ssyncadd.s32 @!p0 $0xFFFFE000  }
.Ltmp1:
0x57: {  	s1 =	simm.s32 @!p0 $0x4000;
	[bflag:$0x0] =	sbarrier.arrive @!p0 $0xFFFF;
	(pc) =	sbr.rel @p1 .LBB2_1-.Ltmp1, $4  }
0x58: {  	[hbm4b:s5+s3] =	stream.linear.scatter @!p0 [tilespmem:s1], [sflag:$0x5], $0x2000, $0x38;
	[tilespmem:$0x8000] =	vst v63  }
0x59: {  	_ =	swait.ge @!p0 [sflag:s0], $0x2000  }
0x5a: {  	[sflag:s0] =	ssyncset.done @!p0 $0x0  }
0x5b: {  	[sflag:s0] =	ssyncadd.s32 @!p0 $0xFFFFE000  }
0x5c: {  	_ =	sfence.sel $0x180000  }
0x5d: {  	[bflag:$0x0] =	sbarrier.arrive $0xFFFF  }
0x5e: {  	_ =	strace $0x90000047  }
0x5f: {  	s0 =	stileid.u32;
	[bflag:$0x2] =	sbarrier.arrive $0xFFFF  }
0x60: {  	p0 =	sne.s32 s0, $0x0;
	s0 =	rddreg [dreg:$0x2]  }
0x61: {  	s0 =	sadd.s32 @!p0 $0x100000, s0  }
0x62: {  	[sflag:s0] =	ssyncadd.tile.s32 @!p0 $0x1;
	_ =	shalt  }
.Lfunc_end2:
_tile_overlayer_lowered:
.L_overlay_start_2:
0x63: {  	(tag) =	ssettag $0x2  }
0x64: {  	s0 =	rddreg [dreg:$0x0];
	s2 =	stileid.u32  }
0x65: {  	s1 =	rddreg [dreg:$0x1];
	p0 =	sne.s32 s2, $0x0  }
0x66: {  	s3 =	rddreg [dreg:$0x2];
	[bflag:$0x3] =	sbarrier.arrive $0xFFFF;
	s2 =	simm.s32 @!p0 $0x1C05  }
0x67: {  	[timem:s3], [sflag:s2] =	dma.local @!p0 [hbm:s0], s1  }
0x68: {  	s0 =	simm.s32 @!p0 $0x5  }
0x69: {  	_ =	swait.ge @!p0 [sflag:s0], s1  }
0x6a: {  	s1 =	ssub.s32 @!p0 $0x0, s1;
	[sflag:s0] =	ssyncset.done @!p0 $0x0  }
0x6b: {  	[sflag:s0] =	ssyncadd.s32 @!p0 s1  }
0x6c: {  	[bflag:$0x3] =	sbarrier.arrive $0xFFFF  }
0x6d: {  	_ =	shalt  }

</sc_bundles>
